<compile_context>
chip_gen: v7x
topology: tpu7x:2x2x1
jax: 0.10.2.dev20260603
libtpu: 0.0.44.dev20260713+nightly
codegen_flags: <defaults>
</compile_context>

<pallas_src>
import functools

import jax
import jax.numpy as jnp
from jax import lax
from jax.experimental import pallas as pl
from jax.experimental.pallas import tpu as pltpu
from jax.experimental.pallas import tpu_sc as plsc

_FIELDS = 26
_DIM = 16
_W = 32768
_BR = _W * _DIM // 128
_BR_SHIFT = _BR.bit_length() - 1


@functools.lru_cache(maxsize=None)
def _make_detile_tc(vocab: int, dim: int):
    vocab_pad = -(-vocab // _W) * _W
    out_rows = vocab_pad * dim // 128

    nk = 128 // dim

    def body(in_ref, out_ref, x2):
        for k in range(nk):
            x2[k * dim:(k + 1) * dim, :] = in_ref[:, k * _BR:(k + 1) * _BR]
        out_ref[...] = jnp.transpose(x2[...])

    return pl.pallas_call(
        body,
        grid=(pl.cdiv(out_rows, _BR),),
        in_specs=[pl.BlockSpec((dim, _W), lambda i: (0, i))],
        out_specs=pl.BlockSpec((_BR, 128), lambda i: (i, 0)),
        out_shape=jax.ShapeDtypeStruct((out_rows, 128), jnp.float32),
        scratch_shapes=[pltpu.VMEM((128, _BR), jnp.float32)],
        compiler_params=pltpu.CompilerParams(
            dimension_semantics=("parallel",),
        ),
    )


@functools.lru_cache(maxsize=None)
def _make_gather(n_rows: int, vocab: int, dim: int):
    info = plsc.get_sparse_core_info()
    nc, ns = info.num_cores, info.num_subcores
    nw = nc * ns
    assert n_rows % nw == 0
    rows_per_w = n_rows // nw
    chunk = 1664
    nbuf = 4
    assert rows_per_w % chunk == 0
    n_chunks = rows_per_w // chunk

    mesh = plsc.VectorSubcoreMesh(core_axis_name="c", subcore_axis_name="s")

    @functools.partial(
        pl.kernel,
        mesh=mesh,
        out_type=jax.ShapeDtypeStruct((n_rows, dim), jnp.float32),
        scratch_types=[
            pltpu.VMEM((rows_per_w,), jnp.int32),
            [pltpu.VMEM((chunk, dim), jnp.float32) for _ in range(nbuf)],
            [pltpu.SemaphoreType.DMA for _ in range(nbuf)],
            [pltpu.SemaphoreType.DMA for _ in range(nbuf)],
        ],
        compiler_params=pltpu.CompilerParams(use_tc_tiling_on_sc=False),
    )
    def gather_kernel(idx_hbm, table_hbm, out_hbm, idx_v, rows, gsems, wsems):
        wid = lax.axis_index("s") * nc + lax.axis_index("c")
        base = wid * rows_per_w
        pltpu.sync_copy(idx_hbm.at[pl.ds(base, rows_per_w)], idx_v)

        def xform(j, carry):
            v = idx_v[pl.ds(j * 16, 16)]
            idx_v[pl.ds(j * 16, 16)] = (
                (v & -_W) + ((v & (_BR - 1)) << 3) + ((v >> _BR_SHIFT) & 7)
            )
            return carry

        lax.fori_loop(0, rows_per_w // 16, xform, 0)

        def start_gather(c):
            b = c % nbuf
            return pltpu.async_copy(
                table_hbm.at[idx_v.at[pl.ds(c * chunk, chunk)]], rows[b], gsems[b]
            )

        gathers = [None] * n_chunks
        writes = [None] * n_chunks
        for c in range(min(nbuf - 1, n_chunks)):
            gathers[c] = start_gather(c)
        for c in range(n_chunks):
            b = c % nbuf
            nxt = c + nbuf - 1
            if nxt < n_chunks:
                prev = nxt - nbuf
                if prev >= 0:
                    writes[prev].wait()
                gathers[nxt] = start_gather(nxt)
            gathers[c].wait()
            writes[c] = pltpu.async_copy(
                rows[b], out_hbm.at[pl.ds(base + c * chunk, chunk)], wsems[b]
            )
        for c in range(max(0, n_chunks - nbuf), n_chunks):
            if writes[c] is not None:
                writes[c].wait()

    return gather_kernel


def kernel(indices, table):
    batch = indices.shape[0]
    vocab, dim = table.shape
    idx_flat = indices.reshape(-1).astype(jnp.int32)
    vocab_pad = -(-vocab // _W) * _W
    tab_t = table.T
    table128 = _make_detile_tc(vocab, dim)(tab_t)
    table_lin = table128.reshape(vocab_pad, dim)
    out = _make_gather(idx_flat.shape[0], vocab_pad, dim)(idx_flat, table_lin)
    return out.reshape(batch, _FIELDS * _DIM)

# --- scband reference (transcript-rebuilt; emitter-appended) ---
"""Pipeline reference for scband-embedding-operator-35828617183436 (READ-ONLY COPY).

The authoritative reference and input builder live on the scoring server;
editing this copy changes nothing except your own understanding.
"""

import jax, jax.numpy as jnp
import numpy as np

BATCH = 16384
FIELDS = 26
VOCAB = 1000000
EMBED_DIM = 16


def setup_inputs(seed: int = 0) -> dict:
    key = jax.random.key(seed)
    k1, k2 = jax.random.split(key)
    indices = jax.random.randint(k1, (BATCH, FIELDS), 0, VOCAB)
    table = jax.random.normal(k2, (VOCAB, EMBED_DIM), dtype=jnp.float32) * 0.01
    return {"indices": indices, "table": table}


def reference(indices, table):
    # EmbeddingOperator forward: look up embedding vectors for each sparse
    # feature id (one id per combined-schema feature column), producing the
    # concatenated per-sample embedding output [batch, n_features * embedding_size].
    emb = jnp.take(table, indices, axis=0)  # [B, F, D]
    out = emb.reshape(indices.shape[0], FIELDS * EMBED_DIM)
    return out

if __name__ == "__main__":
    import jax
    _d = setup_inputs()
    print(jax.jit(kernel)(*tuple(_d.values())))

</pallas_src>

<mosaic_0001>
#map = affine_map<(d0, d1) -> (0)>
#map1 = affine_map<(d0, d1) -> (0, 0)>
module attributes {stable_mosaic.version = 14 : i64} {
  func.func @gather_kernel(%arg0: i32, %arg1: i32, %arg2: memref<425984xi32, #tpu.memory_space<hbm>>, %arg3: memref<1015808x16xf32, #tpu.memory_space<hbm>>, %arg4: memref<425984x16xf32, #tpu.memory_space<hbm>>, %arg5: memref<13312xi32, #tpu.memory_space<vmem>>, %arg6: memref<1664x16xf32, #tpu.memory_space<vmem>>, %arg7: memref<1664x16xf32, #tpu.memory_space<vmem>>, %arg8: memref<1664x16xf32, #tpu.memory_space<vmem>>, %arg9: memref<1664x16xf32, #tpu.memory_space<vmem>>, %arg10: memref<!tpu.dma_semaphore, #tpu.memory_space<semaphore_mem>>, %arg11: memref<!tpu.dma_semaphore, #tpu.memory_space<semaphore_mem>>, %arg12: memref<!tpu.dma_semaphore, #tpu.memory_space<semaphore_mem>>, %arg13: memref<!tpu.dma_semaphore, #tpu.memory_space<semaphore_mem>>, %arg14: memref<!tpu.dma_semaphore, #tpu.memory_space<semaphore_mem>>, %arg15: memref<!tpu.dma_semaphore, #tpu.memory_space<semaphore_mem>>, %arg16: memref<!tpu.dma_semaphore, #tpu.memory_space<semaphore_mem>>, %arg17: memref<!tpu.dma_semaphore, #tpu.memory_space<semaphore_mem>>) attributes {dimension_semantics = [#tpu.dimension_semantics<core_parallel>, #tpu.dimension_semantics<subcore_parallel>], iteration_bounds = array<i64: 2, 16>, scalar_prefetch = 0 : i64, scratch_operands = 13 : i64, tpu.core_type = #tpu.core_type<sc_vector_subcore>, window_params = [{transform_indices = #map}, {transform_indices = #map1}, {transform_indices = #map1}]} {
    %mul3A = arith.constant 2 : i32
    %mul3A_0 = arith.muli %arg1, %mul3A : i32
    %add3A = arith.addi %mul3A_0, %arg0 : i32
    %mul3A_1 = arith.constant 13312 : i32
    %mul3A_2 = arith.muli %add3A, %mul3A_1 : i32
    "tpu.region"() ({
      %run_scoped3A = tpu.sem_alloc : memref<!tpu.dma_semaphore, #tpu.memory_space<semaphore_mem>>
      %dma_start3A_166 = tpu.memref_slice %arg2[%mul3A_2] : memref<425984xi32, #tpu.memory_space<hbm>> -> memref<13312xi32, #tpu.memory_space<hbm>>
      %dma_start3A_167 = tpu.memref_slice %arg2[%mul3A_2] : memref<425984xi32, #tpu.memory_space<hbm>> -> memref<13312xi32, #tpu.memory_space<hbm>>
      tpu.enqueue_dma source(%dma_start3A_167 : memref<13312xi32, #tpu.memory_space<hbm>>) target(%arg5 : memref<13312xi32, #tpu.memory_space<vmem>>) target_semaphore(%run_scoped3A : memref<!tpu.dma_semaphore, #tpu.memory_space<semaphore_mem>>)
      %dma_wait3A_168 = tpu.memref_slice %arg2[%mul3A_2] : memref<425984xi32, #tpu.memory_space<hbm>> -> memref<13312xi32, #tpu.memory_space<hbm>>
      %dma_wait3A_169 = tpu.memref_slice %arg2[%mul3A_2] : memref<425984xi32, #tpu.memory_space<hbm>> -> memref<13312xi32, #tpu.memory_space<hbm>>
      tpu.wait_dma2 semaphore(%run_scoped3A : memref<!tpu.dma_semaphore, #tpu.memory_space<semaphore_mem>>) src(%dma_wait3A_169 : memref<13312xi32, #tpu.memory_space<hbm>>) dst(%arg5 : memref<13312xi32, #tpu.memory_space<vmem>>)
      tpu.yield
    }) : () -> ()
    %scan3A = arith.constant 0 : i32
    %scan3A_3 = arith.constant 0 : i32
    %scan3A_4 = arith.constant 832 : i32
    %scan3A_5 = arith.addi %scan3A_3, %scan3A_4 : i32
    %scan3A_6 = arith.constant 1 : i32
    scf.for %scan3A_166 = %scan3A_3 to %scan3A_5 step %scan3A_6  : i32 {
      %mul3A_167 = arith.constant 16 : i32
      %mul3A_168 = arith.muli %scan3A_166, %mul3A_167 : i32
      %get3A = arith.index_cast %mul3A_168 : i32 to index
      %get3A_169 = tpu.vector_load %arg5[%get3A] {strides = array<i32>} : memref<13312xi32, #tpu.memory_space<vmem>>, vector<16xi32>,
      %get3A_170 = vector.shape_cast %get3A_169 : vector<16xi32> to vector<16xi32>
      %and3A = arith.constant -32768 : i32
      %and3A_171 = vector.broadcast %and3A : i32 to vector<16xi32>
      %and3A_172 = arith.andi %get3A_170, %and3A_171 : vector<16xi32>
      %and3A_173 = arith.constant 4095 : i32
      %and3A_174 = vector.broadcast %and3A_173 : i32 to vector<16xi32>
      %and3A_175 = arith.andi %get3A_170, %and3A_174 : vector<16xi32>
      %shift_left3A = arith.constant 3 : i32
      %shift_left3A_176 = vector.broadcast %shift_left3A : i32 to vector<16xi32>
      %shift_left3A_177 = arith.shli %and3A_175, %shift_left3A_176 : vector<16xi32>
      %add3A_178 = arith.addi %and3A_172, %shift_left3A_177 : vector<16xi32>
      %shift_right_arithmetic3A = arith.constant 12 : i32
      %shift_right_arithmetic3A_179 = vector.broadcast %shift_right_arithmetic3A : i32 to vector<16xi32>
      %shift_right_arithmetic3A_180 = arith.shrsi %get3A_170, %shift_right_arithmetic3A_179 : vector<16xi32>
      %and3A_181 = arith.constant 7 : i32
      %and3A_182 = vector.broadcast %and3A_181 : i32 to vector<16xi32>
      %and3A_183 = arith.andi %shift_right_arithmetic3A_180, %and3A_182 : vector<16xi32>
      %add3A_184 = arith.addi %add3A_178, %and3A_183 : vector<16xi32>
      %mul3A_185 = arith.constant 16 : i32
      %mul3A_186 = arith.muli %scan3A_166, %mul3A_185 : i32
      %swap3A = arith.index_cast %mul3A_186 : i32 to index
      %swap3A_187 = tpu.vector_load %arg5[%swap3A] {strides = array<i32>} : memref<13312xi32, #tpu.memory_space<vmem>>, vector<16xi32>,
      %swap3A_188 = vector.shape_cast %swap3A_187 : vector<16xi32> to vector<16xi32>
      %swap3A_189 = vector.shape_cast %add3A_184 : vector<16xi32> to vector<16xi32>
      tpu.vector_store %arg5[%swap3A], %swap3A_189 {strides = array<i32>} : memref<13312xi32, #tpu.memory_space<vmem>>, vector<16xi32>,
    }
    %scan3A_7 = arith.constant 832 : i32
    %dma_start3A = arith.constant 0 : i32
    %dma_start3A_8 = tpu.memref_slice %arg5[%dma_start3A] : memref<13312xi32, #tpu.memory_space<vmem>> -> memref<1664xi32, #tpu.memory_space<vmem>>
    %dma_start3A_9 = arith.constant 0 : i32
    %dma_start3A_10 = arith.constant 0 : i32
    %dma_start3A_11 = tpu.memref_slice %arg3[%dma_start3A_9, %dma_start3A_10] : memref<1015808x16xf32, #tpu.memory_space<hbm>> -> memref<1015808x16xf32, #tpu.memory_space<hbm>>
    tpu.enqueue_indirect_dma source(%dma_start3A_11 : memref<1015808x16xf32, #tpu.memory_space<hbm>>) target(%arg6 : memref<1664x16xf32, #tpu.memory_space<vmem>>) offsets(%dma_start3A_8 : memref<1664xi32, #tpu.memory_space<vmem>>) semaphore(%arg10 : memref<!tpu.dma_semaphore, #tpu.memory_space<semaphore_mem>>)
    %dma_start3A_12 = arith.constant 1664 : i32
    %dma_start3A_13 = tpu.memref_slice %arg5[%dma_start3A_12] : memref<13312xi32, #tpu.memory_space<vmem>> -> memref<1664xi32, #tpu.memory_space<vmem>>
    %dma_start3A_14 = arith.constant 0 : i32
    %dma_start3A_15 = arith.constant 0 : i32
    %dma_start3A_16 = tpu.memref_slice %arg3[%dma_start3A_14, %dma_start3A_15] : memref<1015808x16xf32, #tpu.memory_space<hbm>> -> memref<1015808x16xf32, #tpu.memory_space<hbm>>
    tpu.enqueue_indirect_dma source(%dma_start3A_16 : memref<1015808x16xf32, #tpu.memory_space<hbm>>) target(%arg7 : memref<1664x16xf32, #tpu.memory_space<vmem>>) offsets(%dma_start3A_13 : memref<1664xi32, #tpu.memory_space<vmem>>) semaphore(%arg11 : memref<!tpu.dma_semaphore, #tpu.memory_space<semaphore_mem>>)
    %dma_start3A_17 = arith.constant 3328 : i32
    %dma_start3A_18 = tpu.memref_slice %arg5[%dma_start3A_17] : memref<13312xi32, #tpu.memory_space<vmem>> -> memref<1664xi32, #tpu.memory_space<vmem>>
    %dma_start3A_19 = arith.constant 0 : i32
    %dma_start3A_20 = arith.constant 0 : i32
    %dma_start3A_21 = tpu.memref_slice %arg3[%dma_start3A_19, %dma_start3A_20] : memref<1015808x16xf32, #tpu.memory_space<hbm>> -> memref<1015808x16xf32, #tpu.memory_space<hbm>>
    tpu.enqueue_indirect_dma source(%dma_start3A_21 : memref<1015808x16xf32, #tpu.memory_space<hbm>>) target(%arg8 : memref<1664x16xf32, #tpu.memory_space<vmem>>) offsets(%dma_start3A_18 : memref<1664xi32, #tpu.memory_space<vmem>>) semaphore(%arg12 : memref<!tpu.dma_semaphore, #tpu.memory_space<semaphore_mem>>)
    %dma_start3A_22 = arith.constant 4992 : i32
    %dma_start3A_23 = tpu.memref_slice %arg5[%dma_start3A_22] : memref<13312xi32, #tpu.memory_space<vmem>> -> memref<1664xi32, #tpu.memory_space<vmem>>
    %dma_start3A_24 = arith.constant 0 : i32
    %dma_start3A_25 = arith.constant 0 : i32
    %dma_start3A_26 = tpu.memref_slice %arg3[%dma_start3A_24, %dma_start3A_25] : memref<1015808x16xf32, #tpu.memory_space<hbm>> -> memref<1015808x16xf32, #tpu.memory_space<hbm>>
    tpu.enqueue_indirect_dma source(%dma_start3A_26 : memref<1015808x16xf32, #tpu.memory_space<hbm>>) target(%arg9 : memref<1664x16xf32, #tpu.memory_space<vmem>>) offsets(%dma_start3A_23 : memref<1664xi32, #tpu.memory_space<vmem>>) semaphore(%arg13 : memref<!tpu.dma_semaphore, #tpu.memory_space<semaphore_mem>>)
    %dma_wait3A = arith.constant 0 : i32
    %dma_wait3A_27 = tpu.memref_slice %arg5[%dma_wait3A] : memref<13312xi32, #tpu.memory_space<vmem>> -> memref<1664xi32, #tpu.memory_space<vmem>>
    %dma_wait3A_28 = arith.constant 0 : i32
    %dma_wait3A_29 = arith.constant 0 : i32
    %dma_wait3A_30 = tpu.memref_slice %arg3[%dma_wait3A_28, %dma_wait3A_29] : memref<1015808x16xf32, #tpu.memory_space<hbm>> -> memref<1015808x16xf32, #tpu.memory_space<hbm>>
    tpu.wait_indirect_dma semaphore(%arg10 : memref<!tpu.dma_semaphore, #tpu.memory_space<semaphore_mem>>) src(%dma_wait3A_30 : memref<1015808x16xf32, #tpu.memory_space<hbm>>) dst(%arg6 : memref<1664x16xf32, #tpu.memory_space<vmem>>)
    %add3A_31 = arith.constant 0 : i32
    %add3A_32 = arith.addi %mul3A_2, %add3A_31 : i32
    %dma_start3A_33 = arith.constant 0 : i32
    %dma_start3A_34 = tpu.memref_slice %arg4[%add3A_32, %dma_start3A_33] : memref<425984x16xf32, #tpu.memory_space<hbm>> -> memref<1664x16xf32, #tpu.memory_space<hbm>>
    %dma_start3A_35 = arith.constant 0 : i32
    %dma_start3A_36 = tpu.memref_slice %arg4[%add3A_32, %dma_start3A_35] : memref<425984x16xf32, #tpu.memory_space<hbm>> -> memref<1664x16xf32, #tpu.memory_space<hbm>>
    tpu.enqueue_dma source(%arg6 : memref<1664x16xf32, #tpu.memory_space<vmem>>) target(%dma_start3A_36 : memref<1664x16xf32, #tpu.memory_space<hbm>>) target_semaphore(%arg14 : memref<!tpu.dma_semaphore, #tpu.memory_space<semaphore_mem>>)
    %dma_wait3A_37 = arith.constant 0 : i32
    %dma_wait3A_38 = tpu.memref_slice %arg4[%add3A_32, %dma_wait3A_37] : memref<425984x16xf32, #tpu.memory_space<hbm>> -> memref<1664x16xf32, #tpu.memory_space<hbm>>
    %dma_wait3A_39 = arith.constant 0 : i32
    %dma_wait3A_40 = tpu.memref_slice %arg4[%add3A_32, %dma_wait3A_39] : memref<425984x16xf32, #tpu.memory_space<hbm>> -> memref<1664x16xf32, #tpu.memory_space<hbm>>
    tpu.wait_dma2 semaphore(%arg14 : memref<!tpu.dma_semaphore, #tpu.memory_space<semaphore_mem>>) src(%arg6 : memref<1664x16xf32, #tpu.memory_space<vmem>>) dst(%dma_wait3A_40 : memref<1664x16xf32, #tpu.memory_space<hbm>>)
    %dma_start3A_41 = arith.constant 6656 : i32
    %dma_start3A_42 = tpu.memref_slice %arg5[%dma_start3A_41] : memref<13312xi32, #tpu.memory_space<vmem>> -> memref<1664xi32, #tpu.memory_space<vmem>>
    %dma_start3A_43 = arith.constant 0 : i32
    %dma_start3A_44 = arith.constant 0 : i32
    %dma_start3A_45 = tpu.memref_slice %arg3[%dma_start3A_43, %dma_start3A_44] : memref<1015808x16xf32, #tpu.memory_space<hbm>> -> memref<1015808x16xf32, #tpu.memory_space<hbm>>
    tpu.enqueue_indirect_dma source(%dma_start3A_45 : memref<1015808x16xf32, #tpu.memory_space<hbm>>) target(%arg6 : memref<1664x16xf32, #tpu.memory_space<vmem>>) offsets(%dma_start3A_42 : memref<1664xi32, #tpu.memory_space<vmem>>) semaphore(%arg10 : memref<!tpu.dma_semaphore, #tpu.memory_space<semaphore_mem>>)
    %dma_wait3A_46 = arith.constant 1664 : i32
    %dma_wait3A_47 = tpu.memref_slice %arg5[%dma_wait3A_46] : memref<13312xi32, #tpu.memory_space<vmem>> -> memref<1664xi32, #tpu.memory_space<vmem>>
    %dma_wait3A_48 = arith.constant 0 : i32
    %dma_wait3A_49 = arith.constant 0 : i32
    %dma_wait3A_50 = tpu.memref_slice %arg3[%dma_wait3A_48, %dma_wait3A_49] : memref<1015808x16xf32, #tpu.memory_space<hbm>> -> memref<1015808x16xf32, #tpu.memory_space<hbm>>
    tpu.wait_indirect_dma semaphore(%arg11 : memref<!tpu.dma_semaphore, #tpu.memory_space<semaphore_mem>>) src(%dma_wait3A_50 : memref<1015808x16xf32, #tpu.memory_space<hbm>>) dst(%arg7 : memref<1664x16xf32, #tpu.memory_space<vmem>>)
    %add3A_51 = arith.constant 1664 : i32
    %add3A_52 = arith.addi %mul3A_2, %add3A_51 : i32
    %dma_start3A_53 = arith.constant 0 : i32
    %dma_start3A_54 = tpu.memref_slice %arg4[%add3A_52, %dma_start3A_53] : memref<425984x16xf32, #tpu.memory_space<hbm>> -> memref<1664x16xf32, #tpu.memory_space<hbm>>
    %dma_start3A_55 = arith.constant 0 : i32
    %dma_start3A_56 = tpu.memref_slice %arg4[%add3A_52, %dma_start3A_55] : memref<425984x16xf32, #tpu.memory_space<hbm>> -> memref<1664x16xf32, #tpu.memory_space<hbm>>
    tpu.enqueue_dma source(%arg7 : memref<1664x16xf32, #tpu.memory_space<vmem>>) target(%dma_start3A_56 : memref<1664x16xf32, #tpu.memory_space<hbm>>) target_semaphore(%arg15 : memref<!tpu.dma_semaphore, #tpu.memory_space<semaphore_mem>>)
    %dma_wait3A_57 = arith.constant 0 : i32
    %dma_wait3A_58 = tpu.memref_slice %arg4[%add3A_52, %dma_wait3A_57] : memref<425984x16xf32, #tpu.memory_space<hbm>> -> memref<1664x16xf32, #tpu.memory_space<hbm>>
    %dma_wait3A_59 = arith.constant 0 : i32
    %dma_wait3A_60 = tpu.memref_slice %arg4[%add3A_52, %dma_wait3A_59] : memref<425984x16xf32, #tpu.memory_space<hbm>> -> memref<1664x16xf32, #tpu.memory_space<hbm>>
    tpu.wait_dma2 semaphore(%arg15 : memref<!tpu.dma_semaphore, #tpu.memory_space<semaphore_mem>>) src(%arg7 : memref<1664x16xf32, #tpu.memory_space<vmem>>) dst(%dma_wait3A_60 : memref<1664x16xf32, #tpu.memory_space<hbm>>)
    %dma_start3A_61 = arith.constant 8320 : i32
    %dma_start3A_62 = tpu.memref_slice %arg5[%dma_start3A_61] : memref<13312xi32, #tpu.memory_space<vmem>> -> memref<1664xi32, #tpu.memory_space<vmem>>
    %dma_start3A_63 = arith.constant 0 : i32
    %dma_start3A_64 = arith.constant 0 : i32
    %dma_start3A_65 = tpu.memref_slice %arg3[%dma_start3A_63, %dma_start3A_64] : memref<1015808x16xf32, #tpu.memory_space<hbm>> -> memref<1015808x16xf32, #tpu.memory_space<hbm>>
    tpu.enqueue_indirect_dma source(%dma_start3A_65 : memref<1015808x16xf32, #tpu.memory_space<hbm>>) target(%arg7 : memref<1664x16xf32, #tpu.memory_space<vmem>>) offsets(%dma_start3A_62 : memref<1664xi32, #tpu.memory_space<vmem>>) semaphore(%arg11 : memref<!tpu.dma_semaphore, #tpu.memory_space<semaphore_mem>>)
    %dma_wait3A_66 = arith.constant 3328 : i32
    %dma_wait3A_67 = tpu.memref_slice %arg5[%dma_wait3A_66] : memref<13312xi32, #tpu.memory_space<vmem>> -> memref<1664xi32, #tpu.memory_space<vmem>>
    %dma_wait3A_68 = arith.constant 0 : i32
    %dma_wait3A_69 = arith.constant 0 : i32
    %dma_wait3A_70 = tpu.memref_slice %arg3[%dma_wait3A_68, %dma_wait3A_69] : memref<1015808x16xf32, #tpu.memory_space<hbm>> -> memref<1015808x16xf32, #tpu.memory_space<hbm>>
    tpu.wait_indirect_dma semaphore(%arg12 : memref<!tpu.dma_semaphore, #tpu.memory_space<semaphore_mem>>) src(%dma_wait3A_70 : memref<1015808x16xf32, #tpu.memory_space<hbm>>) dst(%arg8 : memref<1664x16xf32, #tpu.memory_space<vmem>>)
    %add3A_71 = arith.constant 3328 : i32
    %add3A_72 = arith.addi %mul3A_2, %add3A_71 : i32
    %dma_start3A_73 = arith.constant 0 : i32
    %dma_start3A_74 = tpu.memref_slice %arg4[%add3A_72, %dma_start3A_73] : memref<425984x16xf32, #tpu.memory_space<hbm>> -> memref<1664x16xf32, #tpu.memory_space<hbm>>
    %dma_start3A_75 = arith.constant 0 : i32
    %dma_start3A_76 = tpu.memref_slice %arg4[%add3A_72, %dma_start3A_75] : memref<425984x16xf32, #tpu.memory_space<hbm>> -> memref<1664x16xf32, #tpu.memory_space<hbm>>
    tpu.enqueue_dma source(%arg8 : memref<1664x16xf32, #tpu.memory_space<vmem>>) target(%dma_start3A_76 : memref<1664x16xf32, #tpu.memory_space<hbm>>) target_semaphore(%arg16 : memref<!tpu.dma_semaphore, #tpu.memory_space<semaphore_mem>>)
    %dma_wait3A_77 = arith.constant 0 : i32
    %dma_wait3A_78 = tpu.memref_slice %arg4[%add3A_72, %dma_wait3A_77] : memref<425984x16xf32, #tpu.memory_space<hbm>> -> memref<1664x16xf32, #tpu.memory_space<hbm>>
    %dma_wait3A_79 = arith.constant 0 : i32
    %dma_wait3A_80 = tpu.memref_slice %arg4[%add3A_72, %dma_wait3A_79] : memref<425984x16xf32, #tpu.memory_space<hbm>> -> memref<1664x16xf32, #tpu.memory_space<hbm>>
    tpu.wait_dma2 semaphore(%arg16 : memref<!tpu.dma_semaphore, #tpu.memory_space<semaphore_mem>>) src(%arg8 : memref<1664x16xf32, #tpu.memory_space<vmem>>) dst(%dma_wait3A_80 : memref<1664x16xf32, #tpu.memory_space<hbm>>)
    %dma_start3A_81 = arith.constant 9984 : i32
    %dma_start3A_82 = tpu.memref_slice %arg5[%dma_start3A_81] : memref<13312xi32, #tpu.memory_space<vmem>> -> memref<1664xi32, #tpu.memory_space<vmem>>
    %dma_start3A_83 = arith.constant 0 : i32
    %dma_start3A_84 = arith.constant 0 : i32
    %dma_start3A_85 = tpu.memref_slice %arg3[%dma_start3A_83, %dma_start3A_84] : memref<1015808x16xf32, #tpu.memory_space<hbm>> -> memref<1015808x16xf32, #tpu.memory_space<hbm>>
    tpu.enqueue_indirect_dma source(%dma_start3A_85 : memref<1015808x16xf32, #tpu.memory_space<hbm>>) target(%arg8 : memref<1664x16xf32, #tpu.memory_space<vmem>>) offsets(%dma_start3A_82 : memref<1664xi32, #tpu.memory_space<vmem>>) semaphore(%arg12 : memref<!tpu.dma_semaphore, #tpu.memory_space<semaphore_mem>>)
    %dma_wait3A_86 = arith.constant 4992 : i32
    %dma_wait3A_87 = tpu.memref_slice %arg5[%dma_wait3A_86] : memref<13312xi32, #tpu.memory_space<vmem>> -> memref<1664xi32, #tpu.memory_space<vmem>>
    %dma_wait3A_88 = arith.constant 0 : i32
    %dma_wait3A_89 = arith.constant 0 : i32
    %dma_wait3A_90 = tpu.memref_slice %arg3[%dma_wait3A_88, %dma_wait3A_89] : memref<1015808x16xf32, #tpu.memory_space<hbm>> -> memref<1015808x16xf32, #tpu.memory_space<hbm>>
    tpu.wait_indirect_dma semaphore(%arg13 : memref<!tpu.dma_semaphore, #tpu.memory_space<semaphore_mem>>) src(%dma_wait3A_90 : memref<1015808x16xf32, #tpu.memory_space<hbm>>) dst(%arg9 : memref<1664x16xf32, #tpu.memory_space<vmem>>)
    %add3A_91 = arith.constant 4992 : i32
    %add3A_92 = arith.addi %mul3A_2, %add3A_91 : i32
    %dma_start3A_93 = arith.constant 0 : i32
    %dma_start3A_94 = tpu.memref_slice %arg4[%add3A_92, %dma_start3A_93] : memref<425984x16xf32, #tpu.memory_space<hbm>> -> memref<1664x16xf32, #tpu.memory_space<hbm>>
    %dma_start3A_95 = arith.constant 0 : i32
    %dma_start3A_96 = tpu.memref_slice %arg4[%add3A_92, %dma_start3A_95] : memref<425984x16xf32, #tpu.memory_space<hbm>> -> memref<1664x16xf32, #tpu.memory_space<hbm>>
    tpu.enqueue_dma source(%arg9 : memref<1664x16xf32, #tpu.memory_space<vmem>>) target(%dma_start3A_96 : memref<1664x16xf32, #tpu.memory_space<hbm>>) target_semaphore(%arg17 : memref<!tpu.dma_semaphore, #tpu.memory_space<semaphore_mem>>)
    %dma_wait3A_97 = arith.constant 0 : i32
    %dma_wait3A_98 = tpu.memref_slice %arg4[%add3A_92, %dma_wait3A_97] : memref<425984x16xf32, #tpu.memory_space<hbm>> -> memref<1664x16xf32, #tpu.memory_space<hbm>>
    %dma_wait3A_99 = arith.constant 0 : i32
    %dma_wait3A_100 = tpu.memref_slice %arg4[%add3A_92, %dma_wait3A_99] : memref<425984x16xf32, #tpu.memory_space<hbm>> -> memref<1664x16xf32, #tpu.memory_space<hbm>>
    tpu.wait_dma2 semaphore(%arg17 : memref<!tpu.dma_semaphore, #tpu.memory_space<semaphore_mem>>) src(%arg9 : memref<1664x16xf32, #tpu.memory_space<vmem>>) dst(%dma_wait3A_100 : memref<1664x16xf32, #tpu.memory_space<hbm>>)
    %dma_start3A_101 = arith.constant 11648 : i32
    %dma_start3A_102 = tpu.memref_slice %arg5[%dma_start3A_101] : memref<13312xi32, #tpu.memory_space<vmem>> -> memref<1664xi32, #tpu.memory_space<vmem>>
    %dma_start3A_103 = arith.constant 0 : i32
    %dma_start3A_104 = arith.constant 0 : i32
    %dma_start3A_105 = tpu.memref_slice %arg3[%dma_start3A_103, %dma_start3A_104] : memref<1015808x16xf32, #tpu.memory_space<hbm>> -> memref<1015808x16xf32, #tpu.memory_space<hbm>>
    tpu.enqueue_indirect_dma source(%dma_start3A_105 : memref<1015808x16xf32, #tpu.memory_space<hbm>>) target(%arg9 : memref<1664x16xf32, #tpu.memory_space<vmem>>) offsets(%dma_start3A_102 : memref<1664xi32, #tpu.memory_space<vmem>>) semaphore(%arg13 : memref<!tpu.dma_semaphore, #tpu.memory_space<semaphore_mem>>)
    %dma_wait3A_106 = arith.constant 6656 : i32
    %dma_wait3A_107 = tpu.memref_slice %arg5[%dma_wait3A_106] : memref<13312xi32, #tpu.memory_space<vmem>> -> memref<1664xi32, #tpu.memory_space<vmem>>
    %dma_wait3A_108 = arith.constant 0 : i32
    %dma_wait3A_109 = arith.constant 0 : i32
    %dma_wait3A_110 = tpu.memref_slice %arg3[%dma_wait3A_108, %dma_wait3A_109] : memref<1015808x16xf32, #tpu.memory_space<hbm>> -> memref<1015808x16xf32, #tpu.memory_space<hbm>>
    tpu.wait_indirect_dma semaphore(%arg10 : memref<!tpu.dma_semaphore, #tpu.memory_space<semaphore_mem>>) src(%dma_wait3A_110 : memref<1015808x16xf32, #tpu.memory_space<hbm>>) dst(%arg6 : memref<1664x16xf32, #tpu.memory_space<vmem>>)
    %add3A_111 = arith.constant 6656 : i32
    %add3A_112 = arith.addi %mul3A_2, %add3A_111 : i32
    %dma_start3A_113 = arith.constant 0 : i32
    %dma_start3A_114 = tpu.memref_slice %arg4[%add3A_112, %dma_start3A_113] : memref<425984x16xf32, #tpu.memory_space<hbm>> -> memref<1664x16xf32, #tpu.memory_space<hbm>>
    %dma_start3A_115 = arith.constant 0 : i32
    %dma_start3A_116 = tpu.memref_slice %arg4[%add3A_112, %dma_start3A_115] : memref<425984x16xf32, #tpu.memory_space<hbm>> -> memref<1664x16xf32, #tpu.memory_space<hbm>>
    tpu.enqueue_dma source(%arg6 : memref<1664x16xf32, #tpu.memory_space<vmem>>) target(%dma_start3A_116 : memref<1664x16xf32, #tpu.memory_space<hbm>>) target_semaphore(%arg14 : memref<!tpu.dma_semaphore, #tpu.memory_space<semaphore_mem>>)
    %dma_wait3A_117 = arith.constant 8320 : i32
    %dma_wait3A_118 = tpu.memref_slice %arg5[%dma_wait3A_117] : memref<13312xi32, #tpu.memory_space<vmem>> -> memref<1664xi32, #tpu.memory_space<vmem>>
    %dma_wait3A_119 = arith.constant 0 : i32
    %dma_wait3A_120 = arith.constant 0 : i32
    %dma_wait3A_121 = tpu.memref_slice %arg3[%dma_wait3A_119, %dma_wait3A_120] : memref<1015808x16xf32, #tpu.memory_space<hbm>> -> memref<1015808x16xf32, #tpu.memory_space<hbm>>
    tpu.wait_indirect_dma semaphore(%arg11 : memref<!tpu.dma_semaphore, #tpu.memory_space<semaphore_mem>>) src(%dma_wait3A_121 : memref<1015808x16xf32, #tpu.memory_space<hbm>>) dst(%arg7 : memref<1664x16xf32, #tpu.memory_space<vmem>>)
    %add3A_122 = arith.constant 8320 : i32
    %add3A_123 = arith.addi %mul3A_2, %add3A_122 : i32
    %dma_start3A_124 = arith.constant 0 : i32
    %dma_start3A_125 = tpu.memref_slice %arg4[%add3A_123, %dma_start3A_124] : memref<425984x16xf32, #tpu.memory_space<hbm>> -> memref<1664x16xf32, #tpu.memory_space<hbm>>
    %dma_start3A_126 = arith.constant 0 : i32
    %dma_start3A_127 = tpu.memref_slice %arg4[%add3A_123, %dma_start3A_126] : memref<425984x16xf32, #tpu.memory_space<hbm>> -> memref<1664x16xf32, #tpu.memory_space<hbm>>
    tpu.enqueue_dma source(%arg7 : memref<1664x16xf32, #tpu.memory_space<vmem>>) target(%dma_start3A_127 : memref<1664x16xf32, #tpu.memory_space<hbm>>) target_semaphore(%arg15 : memref<!tpu.dma_semaphore, #tpu.memory_space<semaphore_mem>>)
    %dma_wait3A_128 = arith.constant 9984 : i32
    %dma_wait3A_129 = tpu.memref_slice %arg5[%dma_wait3A_128] : memref<13312xi32, #tpu.memory_space<vmem>> -> memref<1664xi32, #tpu.memory_space<vmem>>
    %dma_wait3A_130 = arith.constant 0 : i32
    %dma_wait3A_131 = arith.constant 0 : i32
    %dma_wait3A_132 = tpu.memref_slice %arg3[%dma_wait3A_130, %dma_wait3A_131] : memref<1015808x16xf32, #tpu.memory_space<hbm>> -> memref<1015808x16xf32, #tpu.memory_space<hbm>>
    tpu.wait_indirect_dma semaphore(%arg12 : memref<!tpu.dma_semaphore, #tpu.memory_space<semaphore_mem>>) src(%dma_wait3A_132 : memref<1015808x16xf32, #tpu.memory_space<hbm>>) dst(%arg8 : memref<1664x16xf32, #tpu.memory_space<vmem>>)
    %add3A_133 = arith.constant 9984 : i32
    %add3A_134 = arith.addi %mul3A_2, %add3A_133 : i32
    %dma_start3A_135 = arith.constant 0 : i32
    %dma_start3A_136 = tpu.memref_slice %arg4[%add3A_134, %dma_start3A_135] : memref<425984x16xf32, #tpu.memory_space<hbm>> -> memref<1664x16xf32, #tpu.memory_space<hbm>>
    %dma_start3A_137 = arith.constant 0 : i32
    %dma_start3A_138 = tpu.memref_slice %arg4[%add3A_134, %dma_start3A_137] : memref<425984x16xf32, #tpu.memory_space<hbm>> -> memref<1664x16xf32, #tpu.memory_space<hbm>>
    tpu.enqueue_dma source(%arg8 : memref<1664x16xf32, #tpu.memory_space<vmem>>) target(%dma_start3A_138 : memref<1664x16xf32, #tpu.memory_space<hbm>>) target_semaphore(%arg16 : memref<!tpu.dma_semaphore, #tpu.memory_space<semaphore_mem>>)
    %dma_wait3A_139 = arith.constant 11648 : i32
    %dma_wait3A_140 = tpu.memref_slice %arg5[%dma_wait3A_139] : memref<13312xi32, #tpu.memory_space<vmem>> -> memref<1664xi32, #tpu.memory_space<vmem>>
    %dma_wait3A_141 = arith.constant 0 : i32
    %dma_wait3A_142 = arith.constant 0 : i32
    %dma_wait3A_143 = tpu.memref_slice %arg3[%dma_wait3A_141, %dma_wait3A_142] : memref<1015808x16xf32, #tpu.memory_space<hbm>> -> memref<1015808x16xf32, #tpu.memory_space<hbm>>
    tpu.wait_indirect_dma semaphore(%arg13 : memref<!tpu.dma_semaphore, #tpu.memory_space<semaphore_mem>>) src(%dma_wait3A_143 : memref<1015808x16xf32, #tpu.memory_space<hbm>>) dst(%arg9 : memref<1664x16xf32, #tpu.memory_space<vmem>>)
    %add3A_144 = arith.constant 11648 : i32
    %add3A_145 = arith.addi %mul3A_2, %add3A_144 : i32
    %dma_start3A_146 = arith.constant 0 : i32
    %dma_start3A_147 = tpu.memref_slice %arg4[%add3A_145, %dma_start3A_146] : memref<425984x16xf32, #tpu.memory_space<hbm>> -> memref<1664x16xf32, #tpu.memory_space<hbm>>
    %dma_start3A_148 = arith.constant 0 : i32
    %dma_start3A_149 = tpu.memref_slice %arg4[%add3A_145, %dma_start3A_148] : memref<425984x16xf32, #tpu.memory_space<hbm>> -> memref<1664x16xf32, #tpu.memory_space<hbm>>
    tpu.enqueue_dma source(%arg9 : memref<1664x16xf32, #tpu.memory_space<vmem>>) target(%dma_start3A_149 : memref<1664x16xf32, #tpu.memory_space<hbm>>) target_semaphore(%arg17 : memref<!tpu.dma_semaphore, #tpu.memory_space<semaphore_mem>>)
    %dma_wait3A_150 = arith.constant 0 : i32
    %dma_wait3A_151 = tpu.memref_slice %arg4[%add3A_112, %dma_wait3A_150] : memref<425984x16xf32, #tpu.memory_space<hbm>> -> memref<1664x16xf32, #tpu.memory_space<hbm>>
    %dma_wait3A_152 = arith.constant 0 : i32
    %dma_wait3A_153 = tpu.memref_slice %arg4[%add3A_112, %dma_wait3A_152] : memref<425984x16xf32, #tpu.memory_space<hbm>> -> memref<1664x16xf32, #tpu.memory_space<hbm>>
    tpu.wait_dma2 semaphore(%arg14 : memref<!tpu.dma_semaphore, #tpu.memory_space<semaphore_mem>>) src(%arg6 : memref<1664x16xf32, #tpu.memory_space<vmem>>) dst(%dma_wait3A_153 : memref<1664x16xf32, #tpu.memory_space<hbm>>)
    %dma_wait3A_154 = arith.constant 0 : i32
    %dma_wait3A_155 = tpu.memref_slice %arg4[%add3A_123, %dma_wait3A_154] : memref<425984x16xf32, #tpu.memory_space<hbm>> -> memref<1664x16xf32, #tpu.memory_space<hbm>>
    %dma_wait3A_156 = arith.constant 0 : i32
    %dma_wait3A_157 = tpu.memref_slice %arg4[%add3A_123, %dma_wait3A_156] : memref<425984x16xf32, #tpu.memory_space<hbm>> -> memref<1664x16xf32, #tpu.memory_space<hbm>>
    tpu.wait_dma2 semaphore(%arg15 : memref<!tpu.dma_semaphore, #tpu.memory_space<semaphore_mem>>) src(%arg7 : memref<1664x16xf32, #tpu.memory_space<vmem>>) dst(%dma_wait3A_157 : memref<1664x16xf32, #tpu.memory_space<hbm>>)
    %dma_wait3A_158 = arith.constant 0 : i32
    %dma_wait3A_159 = tpu.memref_slice %arg4[%add3A_134, %dma_wait3A_158] : memref<425984x16xf32, #tpu.memory_space<hbm>> -> memref<1664x16xf32, #tpu.memory_space<hbm>>
    %dma_wait3A_160 = arith.constant 0 : i32
    %dma_wait3A_161 = tpu.memref_slice %arg4[%add3A_134, %dma_wait3A_160] : memref<425984x16xf32, #tpu.memory_space<hbm>> -> memref<1664x16xf32, #tpu.memory_space<hbm>>
    tpu.wait_dma2 semaphore(%arg16 : memref<!tpu.dma_semaphore, #tpu.memory_space<semaphore_mem>>) src(%arg8 : memref<1664x16xf32, #tpu.memory_space<vmem>>) dst(%dma_wait3A_161 : memref<1664x16xf32, #tpu.memory_space<hbm>>)
    %dma_wait3A_162 = arith.constant 0 : i32
    %dma_wait3A_163 = tpu.memref_slice %arg4[%add3A_145, %dma_wait3A_162] : memref<425984x16xf32, #tpu.memory_space<hbm>> -> memref<1664x16xf32, #tpu.memory_space<hbm>>
    %dma_wait3A_164 = arith.constant 0 : i32
    %dma_wait3A_165 = tpu.memref_slice %arg4[%add3A_145, %dma_wait3A_164] : memref<425984x16xf32, #tpu.memory_space<hbm>> -> memref<1664x16xf32, #tpu.memory_space<hbm>>
    tpu.wait_dma2 semaphore(%arg17 : memref<!tpu.dma_semaphore, #tpu.memory_space<semaphore_mem>>) src(%arg9 : memref<1664x16xf32, #tpu.memory_space<vmem>>) dst(%dma_wait3A_165 : memref<1664x16xf32, #tpu.memory_space<hbm>>)
    return
  }
}

module attributes {stable_mosaic.version = 14 : i64} {
  func.func @body(%arg0: i32, %arg1: memref<16x32768xf32, #tpu.memory_space<vmem>>, %arg2: memref<4096x128xf32, #tpu.memory_space<vmem>>, %arg3: memref<128x4096xf32, #tpu.memory_space<vmem>>) attributes {dimension_semantics = [#tpu.dimension_semantics<parallel>], iteration_bounds = array<i64: 31>, scalar_prefetch = 0 : i64, scratch_operands = 1 : i64, tpu.core_type = #tpu.core_type<tc>, window_params = [{transform_indices = @transform_0, window_bounds = array<i64: 16, 32768>}, {transform_indices = @transform_1, window_bounds = array<i64: 4096, 128>}]} {
    %get3A = arith.constant 0 : index
    %get3A_0 = arith.constant 0 : index
    %get3A_1 = vector.load %arg1[%get3A, %get3A_0] : memref<16x32768xf32, #tpu.memory_space<vmem>>, vector<16x4096xf32>
    %swap3A = arith.constant 0 : index
    %swap3A_2 = arith.constant 0 : index
    %swap3A_3 = vector.load %arg3[%swap3A, %swap3A_2] : memref<128x4096xf32, #tpu.memory_space<vmem>>, vector<16x4096xf32>
    tpu.vector_store %arg3[%swap3A, %swap3A_2], %get3A_1 {strides = array<i32>} : memref<128x4096xf32, #tpu.memory_space<vmem>>, vector<16x4096xf32>,
    %get3A_4 = arith.constant 0 : index
    %get3A_5 = arith.constant 4096 : index
    %get3A_6 = vector.load %arg1[%get3A_4, %get3A_5] : memref<16x32768xf32, #tpu.memory_space<vmem>>, vector<16x4096xf32>
    %swap3A_7 = arith.constant 16 : index
    %swap3A_8 = arith.constant 0 : index
    %swap3A_9 = vector.load %arg3[%swap3A_7, %swap3A_8] : memref<128x4096xf32, #tpu.memory_space<vmem>>, vector<16x4096xf32>
    tpu.vector_store %arg3[%swap3A_7, %swap3A_8], %get3A_6 {strides = array<i32>} : memref<128x4096xf32, #tpu.memory_space<vmem>>, vector<16x4096xf32>,
    %get3A_10 = arith.constant 0 : index
    %get3A_11 = arith.constant 8192 : index
    %get3A_12 = vector.load %arg1[%get3A_10, %get3A_11] : memref<16x32768xf32, #tpu.memory_space<vmem>>, vector<16x4096xf32>
    %swap3A_13 = arith.constant 32 : index
    %swap3A_14 = arith.constant 0 : index
    %swap3A_15 = vector.load %arg3[%swap3A_13, %swap3A_14] : memref<128x4096xf32, #tpu.memory_space<vmem>>, vector<16x4096xf32>
    tpu.vector_store %arg3[%swap3A_13, %swap3A_14], %get3A_12 {strides = array<i32>} : memref<128x4096xf32, #tpu.memory_space<vmem>>, vector<16x4096xf32>,
    %get3A_16 = arith.constant 0 : index
    %get3A_17 = arith.constant 12288 : index
    %get3A_18 = vector.load %arg1[%get3A_16, %get3A_17] : memref<16x32768xf32, #tpu.memory_space<vmem>>, vector<16x4096xf32>
    %swap3A_19 = arith.constant 48 : index
    %swap3A_20 = arith.constant 0 : index
    %swap3A_21 = vector.load %arg3[%swap3A_19, %swap3A_20] : memref<128x4096xf32, #tpu.memory_space<vmem>>, vector<16x4096xf32>
    tpu.vector_store %arg3[%swap3A_19, %swap3A_20], %get3A_18 {strides = array<i32>} : memref<128x4096xf32, #tpu.memory_space<vmem>>, vector<16x4096xf32>,
    %get3A_22 = arith.constant 0 : index
    %get3A_23 = arith.constant 16384 : index
    %get3A_24 = vector.load %arg1[%get3A_22, %get3A_23] : memref<16x32768xf32, #tpu.memory_space<vmem>>, vector<16x4096xf32>
    %swap3A_25 = arith.constant 64 : index
    %swap3A_26 = arith.constant 0 : index
    %swap3A_27 = vector.load %arg3[%swap3A_25, %swap3A_26] : memref<128x4096xf32, #tpu.memory_space<vmem>>, vector<16x4096xf32>
    tpu.vector_store %arg3[%swap3A_25, %swap3A_26], %get3A_24 {strides = array<i32>} : memref<128x4096xf32, #tpu.memory_space<vmem>>, vector<16x4096xf32>,
    %get3A_28 = arith.constant 0 : index
    %get3A_29 = arith.constant 20480 : index
    %get3A_30 = vector.load %arg1[%get3A_28, %get3A_29] : memref<16x32768xf32, #tpu.memory_space<vmem>>, vector<16x4096xf32>
    %swap3A_31 = arith.constant 80 : index
    %swap3A_32 = arith.constant 0 : index
    %swap3A_33 = vector.load %arg3[%swap3A_31, %swap3A_32] : memref<128x4096xf32, #tpu.memory_space<vmem>>, vector<16x4096xf32>
    tpu.vector_store %arg3[%swap3A_31, %swap3A_32], %get3A_30 {strides = array<i32>} : memref<128x4096xf32, #tpu.memory_space<vmem>>, vector<16x4096xf32>,
    %get3A_34 = arith.constant 0 : index
    %get3A_35 = arith.constant 24576 : index
    %get3A_36 = vector.load %arg1[%get3A_34, %get3A_35] : memref<16x32768xf32, #tpu.memory_space<vmem>>, vector<16x4096xf32>
    %swap3A_37 = arith.constant 96 : index
    %swap3A_38 = arith.constant 0 : index
    %swap3A_39 = vector.load %arg3[%swap3A_37, %swap3A_38] : memref<128x4096xf32, #tpu.memory_space<vmem>>, vector<16x4096xf32>
    tpu.vector_store %arg3[%swap3A_37, %swap3A_38], %get3A_36 {strides = array<i32>} : memref<128x4096xf32, #tpu.memory_space<vmem>>, vector<16x4096xf32>,
    %get3A_40 = arith.constant 0 : index
    %get3A_41 = arith.constant 28672 : index
    %get3A_42 = vector.load %arg1[%get3A_40, %get3A_41] : memref<16x32768xf32, #tpu.memory_space<vmem>>, vector<16x4096xf32>
    %swap3A_43 = arith.constant 112 : index
    %swap3A_44 = arith.constant 0 : index
    %swap3A_45 = vector.load %arg3[%swap3A_43, %swap3A_44] : memref<128x4096xf32, #tpu.memory_space<vmem>>, vector<16x4096xf32>
    tpu.vector_store %arg3[%swap3A_43, %swap3A_44], %get3A_42 {strides = array<i32>} : memref<128x4096xf32, #tpu.memory_space<vmem>>, vector<16x4096xf32>,
    %get3A_46 = arith.constant 0 : index
    %get3A_47 = arith.constant 0 : index
    %get3A_48 = vector.load %arg3[%get3A_46, %get3A_47] : memref<128x4096xf32, #tpu.memory_space<vmem>>, vector<128x4096xf32>
    %transpose3A = tpu.transpose %get3A_48, [1, 0] : vector<128x4096xf32> -> vector<4096x128xf32>
    %swap3A_49 = arith.constant 0 : index
    %swap3A_50 = arith.constant 0 : index
    %swap3A_51 = vector.load %arg2[%swap3A_49, %swap3A_50] : memref<4096x128xf32, #tpu.memory_space<vmem>>, vector<4096x128xf32>
    tpu.vector_store %arg2[%swap3A_49, %swap3A_50], %transpose3A {strides = array<i32>} : memref<4096x128xf32, #tpu.memory_space<vmem>>, vector<4096x128xf32>,
    return
  }
  func.func @transform_0(%arg0: i32) -> (i32, i32) {
    %c0_i32 = arith.constant 0 : i32
    %c0_i32_0 = arith.constant 0 : i32
    return %c0_i32, %arg0 : i32, i32
  }
  func.func @transform_1(%arg0: i32) -> (i32, i32) {
    %c0_i32 = arith.constant 0 : i32
    %c0_i32_0 = arith.constant 0 : i32
    return %arg0, %c0_i32 : i32, i32
  }
}

</mosaic_0001>

<sc_bundles>
// kernel: kernel.4.cloned.1.call-start
scs
__scs_entry_jumppad:
0x0: {  	(pc) =	sbr.rel $0x88, $3  }
0x1: {  	(tag) =	ssettag $0x0;
	lr =	simm.s32 $0x1  }
0x2: {  	[smem:$0x3F9F] =	sst lr;
	_ =	strace $0xD0000000  }
0x3: {  	_ = 	snop  }
0x4: {  	_ = 	snop  }
0x5: {  	_ = 	snop  }
0x6: {  	_ = 	snop  }
0x7: {  	_ = 	snop  }
__scs_overlays_trampoline_lowered:
0x8: {  	[smem:$0x3FAE] =	sst s0  }
0x9: {  	[smem:$0x3FAF] =	sst s1  }
0xa: {  	[smem:$0x3FB0] =	sst s2  }
0xb: {  	[smem:$0x3FB1] =	sst s3  }
0xc: {  	[smem:$0x3FB2] =	sst s4  }
0xd: {  	[smem:$0x3FB3] =	sst s5  }
0xe: {  	[smem:$0x3FB4] =	sst s6  }
0xf: {  	[smem:$0x3FB5] =	sst s7  }
0x10: {  	[smem:$0x3FB6] =	sst s8  }
0x11: {  	[smem:$0x3FB7] =	sst s9;
	s0 =	simm.s32 @!p0 $0x0  }
0x12: {  	s1 =	sld [smem:$0x3F9D];
	s0 =	simm.s32 @p0 $0x1  }
0x13: {  	[smem:$0x3FB8] =	sst s0;
	s0 =	simm.s32 @!p1 $0x0  }
0x14: {  	s2 =	sld [smem:$0x3F9C];
	s0 =	simm.s32 @p1 $0x1  }
0x15: {  	[smem:$0x3FB9] =	sst s0;
	s0 =	simm.s32 @!p2 $0x0  }
0x16: {  	s3 =	sld [smem:$0x3FDB];
	s0 =	simm.s32 @p2 $0x1  }
0x17: {  	s4 =	simm.s32 $0x1BF5;
	[smem:$0x3FBB] =	sst s0  }
0x18: {  	s0 =	sld [smem:$0x3F9E];
	_ =	swait.ge [sflag:s4], $0x0  }
0x19: {  	s7 =	sld [smem:$0x3F9F]  }
0x1a: {  	s8 =	sadd.s32 $0xFFFFE003, lr  }
0x1b: {  	s9 =	sadd.s32 $0xFFFFFEF7, lr;
	s5 =	simm.s32 $0xFFFFFFFF;
	p2 =	slt.u32 s8, $0xFFFFF086  }
0x1c: {  	p1 =	slt.u32 s9, $0xF7A;
	s5 =	simm.s32 @!p2 $0x0  }
0x1d: {  	s5 =	simm.s32 @p1 $0x1;
	p0 =	seq.s32 s7, s2  }
0x1e: {  	s7 =	smul.u32 @!p0 $0xF7A, s2;
	p2 =	seq.s32 @!p0 s5, $0x0  }
0x1f: {  	s9 =	smul.u32 $0xF7A, s1;
	s8 =	simm.s32 @!p0 $0x1BF5;
	p2 =	por !p2, p0  }
0x20: {  	[sflag:s8] =	ssyncset.s32 @!p0 $0xFFFFF086;
	s6 =	sadd.s32 @!p0 s3, s7;
	s7 =	simm.s32 @!p0 $0x108  }
0x21: {  	s3 =	sadd.s32 s3, s9;
	s6 =	sadd.s32 @!p0 $0x88, s6;
	s7 =	simm.s32 @p2 $0x1082  }
0x22: {  	[simem:s7], [sflag:s8] =	dma.local @!p0 [hbm:s6], $0xF7A  }
0x23: {  	s9 =	sor.u32 $0xD0000000, s2;
	s6 =	simm.s32 $0x108;
	_ =	swait.ge @!p0 [sflag:s8], $0x0  }
0x24: {  	s3 =	sadd.s32 $0x88, s3;
	s6 =	simm.s32 @!p1 $0x1082;
	[sflag:s4] =	ssyncset.s32 $0xFFFFF086  }
0x25: {  	[simem:s6], [sflag:s4] =	dma.local [hbm:s3], $0xF7A  }
0x26: {  	[smem:$0x3F9F] =	sst s1;
	(tag) =	ssettag s2;
	_ =	strace s9  }
0x27: {  	s1 =	sld [smem:$0x3FAF]  }
0x28: {  	s2 =	sld [smem:$0x3FB0]  }
0x29: {  	s4 =	sld [smem:$0x3FB2]  }
0x2a: {  	p0 =	seq.s32 s5, $0x0;
	s5 =	sld [smem:$0x3FB3]  }
0x2b: {  	s6 =	sld [smem:$0x3FB4]  }
0x2c: {  	s7 =	sld [smem:$0x3FB5]  }
0x2d: {  	s3 =	simm.s32 $0x108;
	s8 =	sld [smem:$0x3FB6]  }
0x2e: {  	s3 =	simm.s32 @!p0 $0x1082;
	s9 =	sld [smem:$0x3FB7]  }
0x2f: {  	lr =	sadd.s32 s0, s3;
	s0 =	sld [smem:$0x3FAE]  }
0x30: {  	s3 =	sld [smem:$0x3FB1]  }
0x31: {  	[smem:$0x3FBA] =	sst s10  }
0x32: {  	s10 =	sld [smem:$0x3FB8];
	_ =	sdelay $0x3  }
0x33: {  	p0 =	seq.s32 s10, $0x1;
	s10 =	sld [smem:$0x3FBA];
	_ =	sdelay $0x3  }
0x34: {  	[smem:$0x3FBA] =	sst s10  }
0x35: {  	s10 =	sld [smem:$0x3FB9];
	_ =	sdelay $0x3  }
0x36: {  	p1 =	seq.s32 s10, $0x1;
	s10 =	sld [smem:$0x3FBA];
	_ =	sdelay $0x3  }
0x37: {  	[smem:$0x3FBA] =	sst s10  }
0x38: {  	s10 =	sld [smem:$0x3FBB]  }
0x39: {  	_ = 	snop;
	(pc) =	sbr.ind lr, $3  }
0x3a: {  	_ = 	snop  }
0x3b: {  	_ = 	snop  }
0x3c: {  	p2 =	seq.s32 s10, $0x1;
	s10 =	sld [smem:$0x3FBA]  }
0x3d: {  	_ =	shalt  }
0x3e: {  	_ =	shalt  }
0x3f: {  	_ =	shalt  }
0x40: {  	_ =	shalt  }
0x41: {  	_ =	shalt  }
0x42: {  	_ =	shalt  }
0x43: {  	_ =	shalt  }
0x44: {  	_ =	shalt  }
0x45: {  	_ =	shalt  }
0x46: {  	_ =	shalt  }
0x47: {  	_ =	shalt  }
0x48: {  	_ =	shalt  }
0x49: {  	_ =	shalt  }
0x4a: {  	_ =	shalt  }
0x4b: {  	_ =	shalt  }
0x4c: {  	_ =	shalt  }
0x4d: {  	_ =	shalt  }
0x4e: {  	_ =	shalt  }
0x4f: {  	_ =	shalt  }
0x50: {  	_ =	shalt  }
0x51: {  	_ =	shalt  }
0x52: {  	_ =	shalt  }
0x53: {  	_ =	shalt  }
0x54: {  	_ =	shalt  }
0x55: {  	_ =	shalt  }
0x56: {  	_ =	shalt  }
0x57: {  	_ =	shalt  }
0x58: {  	_ =	shalt  }
0x59: {  	_ =	shalt  }
0x5a: {  	_ =	shalt  }
0x5b: {  	_ =	shalt  }
0x5c: {  	_ =	shalt  }
0x5d: {  	_ =	shalt  }
0x5e: {  	_ =	shalt  }
0x5f: {  	_ =	shalt  }
0x60: {  	_ =	shalt  }
0x61: {  	_ =	shalt  }
0x62: {  	_ =	shalt  }
0x63: {  	_ =	shalt  }
0x64: {  	_ =	shalt  }
0x65: {  	_ =	shalt  }
0x66: {  	_ =	shalt  }
0x67: {  	_ =	shalt  }
0x68: {  	_ =	shalt  }
0x69: {  	_ =	shalt  }
0x6a: {  	_ =	shalt  }
0x6b: {  	_ =	shalt  }
0x6c: {  	_ =	shalt  }
0x6d: {  	_ =	shalt  }
0x6e: {  	_ =	shalt  }
0x6f: {  	_ =	shalt  }
0x70: {  	_ =	shalt  }
0x71: {  	_ =	shalt  }
0x72: {  	_ =	shalt  }
0x73: {  	_ =	shalt  }
0x74: {  	_ =	shalt  }
0x75: {  	_ =	shalt  }
0x76: {  	_ =	shalt  }
0x77: {  	_ =	shalt  }
0x78: {  	_ =	shalt  }
0x79: {  	_ =	shalt  }
0x7a: {  	_ =	shalt  }
0x7b: {  	_ =	shalt  }
0x7c: {  	_ =	shalt  }
0x7d: {  	_ =	shalt  }
0x7e: {  	_ =	shalt  }
0x7f: {  	_ =	shalt  }
0x80: {  	_ =	shalt  }
0x81: {  	_ =	shalt  }
0x82: {  	_ =	shalt  }
0x83: {  	_ =	shalt  }
0x84: {  	_ =	shalt  }
0x85: {  	_ =	shalt  }
0x86: {  	_ =	shalt  }
0x87: {  	_ =	shalt  }
.Lfunc_end0:
.L_simem_size_0:
called_computation_lowered:
.L_overlay_start_0:
0x88: {  	s2 =	sld [smem:$0x3FD9]  }
0x89: {  	s3 =	sld [smem:$0x3FFE];
	_ =	sdelay $0x1  }
0x8a: {  	s1 =	srdreg.scid  }
0x8b: {  	s0 =	sand.u32 $0x1, s1  }
0x8c: {  	s17 =	sshll.u32 s0, $0xA;
	s2 =	sadd.s32 s3, s2  }
0x8d: {  	s2 =	sadd.s32 s2, s17  }
0x8e: {  	[smem:$0x3FC6] =	sst s2  }
0x8f: {  	_ = 	snop  }
0x90: {  	s2 =	sld [smem:$0x3FD0];
	(tm) =	ssettm $0x1  }
0x91: {  	s18 =	sld [smem:$0x3FFB];
	_ =	sdelay $0x3  }
0x92: {  	_ =	strace s18  }
0x93: {  	s3 =	sld [smem:$0x3FFC];
	_ =	sdelay $0x3  }
0x94: {  	_ =	strace s3  }
0x95: {  	s3 =	sld [smem:$0x3FFD];
	_ =	sdelay $0x3  }
0x96: {  	_ =	strace s3  }
0x97: {  	_ =	strace $0x8FFFFFFF  }
0x98: {  	s19 =	sld [smem:$0x3FDB];
	_ =	sdelay $0x1  }
0x99: {  	s4 =	simm.s32 $_scs_section_size  }
0x9a: {  	s5 =	simm.s32 $_size__tile_overlayer_lowered;
	s6 =	simm.s32 $_tile_overlayer_lowered  }
0x9b: {  	s22 =	simm.s32 $0x1BFF;
	s21 =	sshll.u32 s6, $0x1;
	s3 =	sadd.s32 s4, s19  }
0x9c: {  	s7 =	simm.s32 $0x0;
	s20 =	sshll.u32 s5, $0x1;
	s5 =	sadd.s32 s21, s3  }
0x9d: {  	[timem:s7], [sflag:s22] =	dma.local [hbm:s5], s20  }
0x9e: {  	_ =	swait.ge [sflag:s22], s20  }
0x9f: {  	s4 =	ssub.s32 $0x0, s20;
	[sflag:s22] =	ssyncset.done $0x0  }
0xa0: {  	[sflag:s22] =	ssyncadd.s32 s4;
	_ =	sdelay $0x1  }
0xa1: {  	s23 =	simm.s32 $0x1B8B  }
0xa2: {  	_ =	swait.ge [sflag:s23], $0x1  }
0xa3: {  	[sflag:s23] =	ssyncset.done $0x0  }
0xa4: {  	s25 =	simm.s32 $0x1B8E;
	s24 =	sld [smem:$0x3FFE];
	[sflag:s23] =	ssyncadd.s32 $0xFFFFFFFF  }
0xa5: {  	s26 =	simm.s32 $execute0_lowered;
	[smem:$0x3FD2] =	sst s25  }
0xa6: {  	s5 =	sshll.u32 s26, $0x1;
	_ =	strace $0x80000046;
	[dreg:$0x1] =	wrdreg $0xFFFFFFFF  }
0xa7: {  	s28 =	simm.s32 $_size_execute0_lowered;
	s3 =	sadd.s32 s3, s5;
	[dreg:$0x0] =	wrdreg $0x0  }
0xa8: {  	s5 =	sshll.u32 s28, $0x1;
	[dreg:$0x2] =	wrdreg s3  }
0xa9: {  	[dreg:$0x3] =	wrdreg s5  }
0xaa: {  	[dreg:$0x4] =	wrdreg $0xC0  }
0xab: {  	_ =	task [dreg:s7], $0x5FFFF  }
0xac: {  	[dreg:$0x1] =	wrdreg $0xFFFFFFFF  }
0xad: {  	[dreg:$0x0] =	wrdreg $0x60  }
0xae: {  	[dreg:$0x2] =	wrdreg s24  }
0xaf: {  	[dreg:$0x3] =	wrdreg s2  }
0xb0: {  	[dreg:$0x4] =	wrdreg $0x9  }
0xb1: {  	_ =	task.clear_ibuf [dreg:s7], $0x5FFFF;
	_ =	strace $0x90000046  }
0xb2: {  	s29 =	simm.s32 $0x9;
	_ =	strace $0x80000048  }
0xb3: {  	_ =	swait.ge [sflag:s29], $0x1  }
0xb4: {  	[sflag:s29] =	ssyncadd.s32 $0xFFFFFFFF  }
0xb5: {  	_ =	strace $0x90000048  }
0xb6: {  	_ =	sfence  }
0xb7: {  	s30 =	sld [smem:$0x0];
	_ =	sdelay $0x2  }
0xb8: {  	s31 =	sshll.u32 s1, $0xD;
	s1 =	sshrl.u32 s1, $0x2  }
0xb9: {  	s3 =	sand.u32 $0x4000, s31;
	s1 =	sadd.s32 s1, s30  }
0xba: {  	s0 =	sor.u32 s3, s0;
	s1 =	sshll.u32 s1, $0x11  }
0xbb: {  	s0 =	sor.u32 s1, s0  }
0xbc: {  	s0 =	sadd.s32 $0x8F2B, s0  }
0xbd: {  	[sflag:s0] =	ssyncadd.remote.s32 $0x1  }
0xbe: {  	_ =	sfence.sel $0xFFFF  }
0xbf: {  	[dreg:$0x0] =	wrdreg $0xFFFFFFFF;
	(pc) =	sbr.abs _section_cstart, $3  }
0xc0: {  	[dreg:$0x1] =	wrdreg $0xFFFFFFFF  }
0xc1: {  	_ =	task.clear_ibuf [dreg:s7], $0x2FFFF;
	_ =	strace $0x9FFFFFFF  }
0xc2: {  	(tm) =	ssettm $0x7FFFFFFF  }
0xc3: {  	_ =	shalt  }
tec
execute0_lowered:
.L_overlay_start_1:
0x0: {  	(tag) =	ssettag $0x1  }
0x1: {  	s0 =	rddreg [dreg:$0x0];
	s1 =	srdreg.scid  }
0x2: {  	s2 =	stileid.u32;
	s5 =	rddreg [dreg:$0x1];
	s14 =	simm.s32 $0x9  }
0x3: {  	s15 =	simm.s32 $0x680;
	s16 =	simm.s32 $0x3400;
	s17 =	simm.s32 $0x9C00  }
0x4: {  	s19 =	simm.s32 $0x10400;
	s21 =	simm.s32 $0x16C00;
	s22 =	simm.s32 $0x1  }
0x5: {  	s23 =	simm.s32 $0x5;
	s25 =	simm.s32 $0x2;
	s29 =	simm.s32 $0x3  }
0x6: {  	s30 =	simm.s32 $0x7;
	s1 =	sand.u32 $0x1, s1;
	s3 =	sshll.u32 s2, $0x1  }
0x7: {  	s31 =	simm.s32 $0x2700;
	s18 =	simm.s32 $0x2D80;
	s4 =	sor.u32 s1, s3  }
0x8: {  	s20 =	simm.s32 $0x0;
	s2 =	simm.s32 $0x0;
	s3 =	smul.u32 $0x680, s4  }
0x9: {  	[smem:$0x7FF] =	sst s2;
	s26 =	ssub.s32 $0x2, s1;
	s6 =	smul.u32 $0x34000, s4  }
0xa: {  	_ =	strace $0x80000047;
	s1 =	sshrl.u32 s26, $0x1;
	s8 =	smul.u32 $0x6800, s4  }
0xb: {  	s7 =	sadd.s32 s3, s0;
	s3 =	sadd.s32 $0xD400, s0;
	s6 =	sshrl.u32 s6, $0x3  }
0xc: {  	s0 =	ssub.s32 s26, s1;
	s26 =	simm.s32 $0x6;
	s1 =	simm.s32 $0x4  }
0xd: {  	s4 =	sadd.s32 $0x400, s7;
	s28 =	sadd.s32 s5, s6;
	s5 =	sadd.s32 s5, s8  }
0xe: {  	s13 =	smax.u32 s0, $0x1;
	s0 =	simm.s32 $0x8;
	s6 =	sadd.s32 $0xD00, s28  }
0xf: {  	s7 =	sadd.s32 $0x1A00, s28;
	s8 =	sadd.s32 $0x2700, s28;
	s9 =	sadd.s32 $0x3400, s28  }
0x10: {  	s10 =	sadd.s32 $0x4100, s28;
	s11 =	sadd.s32 $0x4E00, s28;
	s12 =	sadd.s32 $0x5B00, s28  }
.LBB2_1:
0x11: {  	[tilespmem:s2], [sflag:$0x9] =	stream.linear.gather [hbm4b:s4+s2], $0x3400, $0x38;
	[tilespmem:$0x1D400] =	vst v63  }
0x12: {  	_ =	swait.ge [sflag:s14], $0x3400  }
0x13: {  	[sflag:s14] =	ssyncset.done $0x0  }
0x14: {  	s24 =	simm.s32 $0x0;
	s28 =	simm.s32 $0x40;
	[sflag:s14] =	ssyncadd.s32 $0xFFFFCC00  }
.LBB2_2:
0x15: {  	p0 =	sne.s32 s28, $0xCFC0;
	v0 =	vld [tilespmem:s24+$0x0];
	_ =	sdelay $0x4  }
.Ltmp0:
0x16: {  	v1 =	vshll.u32 v0, $0x3;
	(pc) =	sbr.rel @p0 .LBB2_2-.Ltmp0, $4  }
0x17: {  	v2 =	vand.u32 $0xFFFF8000, v0;
	v0 =	vshrl.u32 v0, $0xC;
	v1 =	vand.u32 $0x7FF8, v1  }
0x18: {  	v0 =	vand.u32 $0x7, v0;
	v1 =	vor.u32 v2, v1  }
0x19: {  	v0 =	vor.u32 v0, v1  }
0x1a: {  	[tilespmem:s24+$0x0] =	vst v0;
	s24 =	sshra.s32 s28, $0x2;
	s28 =	sadd.s32 $0x40, s28  }
0x1b: {  	v0 =	vld [tilespmem:s24+$0x0];
	_ =	sdelay $0x4  }
0x1c: {  	v1 =	vshll.u32 v0, $0x3  }
0x1d: {  	v2 =	vand.u32 $0xFFFF8000, v0;
	v0 =	vshrl.u32 v0, $0xC;
	v1 =	vand.u32 $0x7FF8, v1  }
0x1e: {  	v0 =	vand.u32 $0x7, v0;
	v1 =	vor.u32 v2, v1  }
0x1f: {  	v0 =	vor.u32 v0, v1  }
0x20: {  	[tilespmem:s24+$0x0] =	vst v0  }
0x21: {  	[tilespmem:s16], [sflag:$0x1] =	stream.indirect.gather [hbm4b:s3+s15], $0x10, s2, s15, $0xb8;
	[tilespmem:$0x1D400] =	vst v63  }
0x22: {  	_ = 	snop  }
0x23: {  	[tilespmem:s17], [sflag:$0x2] =	stream.indirect.gather [hbm4b:s3+s15], $0x10, s15, s15, $0xb8;
	[tilespmem:$0x1D400] =	vst v63  }
0x24: {  	s28 =	simm.s32 $0xD00  }
0x25: {  	[tilespmem:s19], [sflag:$0x3] =	stream.indirect.gather [hbm4b:s3+s15], $0x10, s28, s15, $0xb8;
	[tilespmem:$0x1D400] =	vst v63  }
0x26: {  	s28 =	simm.s32 $0x1380  }
0x27: {  	[tilespmem:s21], [sflag:$0x4] =	stream.indirect.gather [hbm4b:s3+s15], $0x10, s28, s15, $0xb8;
	[tilespmem:$0x1D400] =	vst v63  }
0x28: {  	_ =	swait.ge [sflag:s22], $0x6800  }
0x29: {  	[sflag:s22] =	ssyncset.done $0x0  }
0x2a: {  	[sflag:s22] =	ssyncadd.s32 $0xFFFF9800  }
0x2b: {  	[hbm4b:s5+s2] =	stream.linear.scatter [tilespmem:s16], [sflag:$0x5], $0x6800, $0x38;
	[tilespmem:$0x1D400] =	vst v63  }
0x2c: {  	_ =	swait.ge [sflag:s23], $0x6800  }
0x2d: {  	[sflag:s23] =	ssyncset.done $0x0  }
0x2e: {  	s28 =	simm.s32 $0x1A00;
	[sflag:s23] =	ssyncadd.s32 $0xFFFF9800  }
0x2f: {  	[tilespmem:s16], [sflag:$0x1] =	stream.indirect.gather [hbm4b:s3+s15], $0x10, s28, s15, $0xb8;
	[tilespmem:$0x1D400] =	vst v63  }
0x30: {  	_ =	swait.ge [sflag:s25], $0x6800  }
0x31: {  	[sflag:s25] =	ssyncset.done $0x0  }
0x32: {  	[sflag:s25] =	ssyncadd.s32 $0xFFFF9800  }
0x33: {  	[hbm4b:s6+s2] =	stream.linear.scatter [tilespmem:s17], [sflag:$0x6], $0x6800, $0x38;
	[tilespmem:$0x1D400] =	vst v63  }
0x34: {  	_ =	swait.ge [sflag:s26], $0x6800  }
0x35: {  	[sflag:s26] =	ssyncset.done $0x0  }
0x36: {  	s28 =	simm.s32 $0x2080;
	[sflag:s26] =	ssyncadd.s32 $0xFFFF9800  }
0x37: {  	[tilespmem:s17], [sflag:$0x2] =	stream.indirect.gather [hbm4b:s3+s15], $0x10, s28, s15, $0xb8;
	[tilespmem:$0x1D400] =	vst v63  }
0x38: {  	_ =	swait.ge [sflag:s29], $0x6800  }
0x39: {  	[sflag:s29] =	ssyncset.done $0x0  }
0x3a: {  	[sflag:s29] =	ssyncadd.s32 $0xFFFF9800  }
0x3b: {  	[hbm4b:s7+s2] =	stream.linear.scatter [tilespmem:s19], [sflag:$0x7], $0x6800, $0x38;
	[tilespmem:$0x1D400] =	vst v63  }
0x3c: {  	_ =	swait.ge [sflag:s30], $0x6800  }
0x3d: {  	[sflag:s30] =	ssyncset.done $0x0  }
0x3e: {  	[sflag:s30] =	ssyncadd.s32 $0xFFFF9800  }
0x3f: {  	[tilespmem:s19], [sflag:$0x3] =	stream.indirect.gather [hbm4b:s3+s15], $0x10, s31, s15, $0xb8;
	[tilespmem:$0x1D400] =	vst v63  }
0x40: {  	_ =	swait.ge [sflag:s1], $0x6800  }
0x41: {  	[sflag:s1] =	ssyncset.done $0x0  }
0x42: {  	[sflag:s1] =	ssyncadd.s32 $0xFFFF9800  }
0x43: {  	[hbm4b:s8+s2] =	stream.linear.scatter [tilespmem:s21], [sflag:$0x8], $0x6800, $0x38;
	[tilespmem:$0x1D400] =	vst v63  }
0x44: {  	_ =	swait.ge [sflag:s0], $0x6800  }
0x45: {  	[sflag:s0] =	ssyncset.done $0x0  }
0x46: {  	[sflag:s0] =	ssyncadd.s32 $0xFFFF9800  }
0x47: {  	[tilespmem:s21], [sflag:$0x4] =	stream.indirect.gather [hbm4b:s3+s15], $0x10, s18, s15, $0xb8;
	[tilespmem:$0x1D400] =	vst v63  }
0x48: {  	_ =	swait.ge [sflag:s22], $0x6800  }
0x49: {  	[sflag:s22] =	ssyncset.done $0x0  }
0x4a: {  	[sflag:s22] =	ssyncadd.s32 $0xFFFF9800  }
0x4b: {  	[hbm4b:s9+s2] =	stream.linear.scatter [tilespmem:s16], [sflag:$0x5], $0x6800, $0x38;
	[tilespmem:$0x1D400] =	vst v63  }
0x4c: {  	_ =	swait.ge [sflag:s25], $0x6800  }
0x4d: {  	[sflag:s25] =	ssyncset.done $0x0  }
0x4e: {  	[sflag:s25] =	ssyncadd.s32 $0xFFFF9800  }
0x4f: {  	[hbm4b:s10+s2] =	stream.linear.scatter [tilespmem:s17], [sflag:$0x6], $0x6800, $0x38;
	[tilespmem:$0x1D400] =	vst v63  }
0x50: {  	_ =	swait.ge [sflag:s29], $0x6800  }
0x51: {  	[sflag:s29] =	ssyncset.done $0x0  }
0x52: {  	[sflag:s29] =	ssyncadd.s32 $0xFFFF9800  }
0x53: {  	[hbm4b:s11+s2] =	stream.linear.scatter [tilespmem:s19], [sflag:$0x7], $0x6800, $0x38;
	[tilespmem:$0x1D400] =	vst v63  }
0x54: {  	_ =	swait.ge [sflag:s1], $0x6800  }
0x55: {  	[sflag:s1] =	ssyncset.done $0x0  }
0x56: {  	[sflag:s1] =	ssyncadd.s32 $0xFFFF9800  }
0x57: {  	[hbm4b:s12+s2] =	stream.linear.scatter [tilespmem:s21], [sflag:$0x8], $0x6800, $0x38;
	[tilespmem:$0x1D400] =	vst v63  }
0x58: {  	_ =	swait.ge [sflag:s23], $0x6800  }
0x59: {  	[sflag:s23] =	ssyncset.done $0x0  }
0x5a: {  	[sflag:s23] =	ssyncadd.s32 $0xFFFF9800  }
0x5b: {  	_ =	swait.ge [sflag:s26], $0x6800  }
0x5c: {  	[sflag:s26] =	ssyncset.done $0x0  }
0x5d: {  	s20 =	sadd.s32 $0x1, s20;
	[sflag:s26] =	ssyncadd.s32 $0xFFFF9800  }
0x5e: {  	p0 =	sne.s32 s20, s13;
	_ =	swait.ge [sflag:s30], $0x6800  }
.Ltmp1:
0x5f: {  	[sflag:s30] =	ssyncset.done $0x0;
	(pc) =	sbr.rel @p0 .LBB2_1-.Ltmp1, $4  }
0x60: {  	[sflag:s30] =	ssyncadd.s32 $0xFFFF9800  }
0x61: {  	_ =	swait.ge [sflag:s0], $0x6800  }
0x62: {  	[sflag:s0] =	ssyncset.done $0x0  }
0x63: {  	[sflag:s0] =	ssyncadd.s32 $0xFFFF9800  }
0x64: {  	_ =	sfence.sel $0x180000  }
0x65: {  	[bflag:$0x0] =	sbarrier.arrive $0xFFFF  }
0x66: {  	_ =	strace $0x90000047  }
0x67: {  	s0 =	stileid.u32;
	[bflag:$0x2] =	sbarrier.arrive $0xFFFF  }
0x68: {  	p0 =	sne.s32 s0, $0x0;
	s0 =	rddreg [dreg:$0x2]  }
0x69: {  	s0 =	sadd.s32 @!p0 $0x100000, s0  }
0x6a: {  	[sflag:s0] =	ssyncadd.tile.s32 @!p0 $0x1;
	_ =	shalt  }
.Lfunc_end2:
_tile_overlayer_lowered:
.L_overlay_start_2:
0x6b: {  	(tag) =	ssettag $0x2  }
0x6c: {  	s0 =	rddreg [dreg:$0x0];
	s2 =	stileid.u32  }
0x6d: {  	s1 =	rddreg [dreg:$0x1];
	p0 =	sne.s32 s2, $0x0  }
0x6e: {  	s3 =	rddreg [dreg:$0x2];
	[bflag:$0x3] =	sbarrier.arrive $0xFFFF;
	s2 =	simm.s32 @!p0 $0x1C09  }
0x6f: {  	[timem:s3], [sflag:s2] =	dma.local @!p0 [hbm:s0], s1  }
0x70: {  	s0 =	simm.s32 @!p0 $0x9  }
0x71: {  	_ =	swait.ge @!p0 [sflag:s0], s1  }
0x72: {  	s1 =	ssub.s32 @!p0 $0x0, s1;
	[sflag:s0] =	ssyncset.done @!p0 $0x0  }
0x73: {  	[sflag:s0] =	ssyncadd.s32 @!p0 s1  }
0x74: {  	[bflag:$0x3] =	sbarrier.arrive $0xFFFF  }
0x75: {  	_ =	shalt  }

</sc_bundles>
